<compile_context>
chip_gen: v7x
topology: tpu7x:2x2x1
jax: 0.10.2.dev20260603
libtpu: 0.0.44.dev20260713+nightly
codegen_flags: <defaults>
</compile_context>

<pallas_src>
import functools

import jax
import jax.numpy as jnp
from jax import lax
from jax.experimental import pallas as pl
from jax.experimental.pallas import tpu as pltpu
from jax.experimental.pallas import tpu_sc as plsc

K_CODES = 8192
D = 64
N_TOK = 16384
BETA = 0.25

TN = 1024
TK = 8192
NB = N_TOK // TN
KB = K_CODES // TK
DA = D + 8


_IDX_MASK = 0x1FFF


def _assign_body(zaug_ref, caug_ref, idx_ref, sumsq_ref, rmin):
    k = pl.program_id(1)
    n = pl.program_id(0)

    @pl.when(k == 0)
    def _init():
        rmin[...] = jnp.full((TN, 1), jnp.int32(0x7FFFFFFF), jnp.int32)

    zt = zaug_ref[...]
    ct = caug_ref[...]
    sq = lax.dot_general(zt, ct, (((1,), (1,)), ((), ())),
                         precision=lax.Precision.DEFAULT,
                         preferred_element_type=jnp.float32)
    sq = jnp.maximum(sq, 0.0)
    u = lax.bitcast_convert_type(sq, jnp.int32) & jnp.int32(~_IDX_MASK)
    gcol = lax.broadcasted_iota(jnp.int32, (1, TK), 1) + k * TK
    packed = u | gcol
    m = jnp.min(packed, axis=1, keepdims=True)
    rmin[...] = jnp.minimum(m, rmin[...])

    @pl.when(k == KB - 1)
    def _emit():
        pk = rmin[...]
        idx_ref[...] = pk & _IDX_MASK
        final = lax.bitcast_convert_type(pk & jnp.int32(~_IDX_MASK),
                                         jnp.float32)
        first = n == 0
        prev = jnp.where(first, jnp.zeros((1, 1), jnp.float32), sumsq_ref[...])
        sumsq_ref[...] = prev + jnp.sum(final)


_assign = pl.pallas_call(
    _assign_body,
    grid=(NB, KB),
    in_specs=[
        pl.BlockSpec((TN, DA), lambda n, k: (n, 0)),
        pl.BlockSpec((TK, DA), lambda n, k: (k, 0)),
    ],
    out_specs=[
        pl.BlockSpec((TN, 1), lambda n, k: (n, 0)),
        pl.BlockSpec((1, 1), lambda n, k: (0, 0)),
    ],
    out_shape=[
        jax.ShapeDtypeStruct((N_TOK, 1), jnp.int32),
        jax.ShapeDtypeStruct((1, 1), jnp.float32),
    ],
    scratch_shapes=[
        pltpu.VMEM((TN, 1), jnp.int32),
    ],
)



_NC = 2
_NS = 16
_NW = _NC * _NS
_BPW = N_TOK // _NW
_CH = 128
_NCH = _BPW // _CH
_HROWS = K_CODES // _NS
_HW = 16


def _sc_body(idx_hbm, cb_hbm, zeros_hbm, ones_hbm,
             quant_hbm, counts_hbm,
             i0, i1, i2, i3, rows_v, ones_v, hist_sh, sem):
    c = lax.axis_index("c")
    s = lax.axis_index("s")
    wid = s * _NC + c
    base = wid * _BPW

    pltpu.sync_copy(idx_hbm.at[pl.ds(base + 0 * _CH, _CH)], i0)
    pltpu.sync_copy(idx_hbm.at[pl.ds(base + 1 * _CH, _CH)], i1)
    pltpu.sync_copy(idx_hbm.at[pl.ds(base + 2 * _CH, _CH)], i2)
    pltpu.sync_copy(idx_hbm.at[pl.ds(base + 3 * _CH, _CH)], i3)

    g0 = pltpu.async_copy(cb_hbm.at[i0], rows_v.at[pl.ds(0 * _CH, _CH)], sem)
    g1 = pltpu.async_copy(cb_hbm.at[i1], rows_v.at[pl.ds(1 * _CH, _CH)], sem)
    g2 = pltpu.async_copy(cb_hbm.at[i2], rows_v.at[pl.ds(2 * _CH, _CH)], sem)
    g3 = pltpu.async_copy(cb_hbm.at[i3], rows_v.at[pl.ds(3 * _CH, _CH)], sem)

    pltpu.sync_copy(zeros_hbm, hist_sh.at[pl.ds(s * _HROWS, _HROWS)])
    pltpu.sync_copy(ones_hbm, ones_v)
    plsc.subcore_barrier()

    pltpu.sync_copy(ones_v, hist_sh.at[i0], add=True)
    pltpu.sync_copy(ones_v, hist_sh.at[i1], add=True)
    pltpu.sync_copy(ones_v, hist_sh.at[i2], add=True)
    pltpu.sync_copy(ones_v, hist_sh.at[i3], add=True)
    plsc.subcore_barrier()

    crow = c * K_CODES + s * _HROWS
    pltpu.sync_copy(hist_sh.at[pl.ds(s * _HROWS, _HROWS)],
                    counts_hbm.at[pl.ds(crow, _HROWS)])

    g0.wait()
    g1.wait()
    g2.wait()
    g3.wait()
    pltpu.sync_copy(rows_v, quant_hbm.at[pl.ds(base, _BPW)])


@functools.cache
def _sc_gather_hist():
    return pl.kernel(
        _sc_body,
        out_type=[
            jax.ShapeDtypeStruct((N_TOK, D), jnp.float32),
            jax.ShapeDtypeStruct((_NC * K_CODES, _HW), jnp.float32),
        ],
        mesh=plsc.VectorSubcoreMesh(core_axis_name="c", subcore_axis_name="s",
                                    num_cores=_NC, num_subcores=_NS),
        scratch_types=[
            pltpu.VMEM((_CH,), jnp.int32),
            pltpu.VMEM((_CH,), jnp.int32),
            pltpu.VMEM((_CH,), jnp.int32),
            pltpu.VMEM((_CH,), jnp.int32),
            pltpu.VMEM((_BPW, D), jnp.float32),
            pltpu.VMEM((_CH, _HW), jnp.float32),
            pltpu.VMEM_SHARED((K_CODES, _HW), jnp.float32),
            pltpu.SemaphoreType.DMA,
        ],
        compiler_params=pltpu.CompilerParams(use_tc_tiling_on_sc=False),
    )



def _stats_body(counts_ref, sumsq_ref, vq_ref, commit_ref, perp_ref, uniq_ref):
    cnt = counts_ref[0:K_CODES, 0:1] + counts_ref[K_CODES:2 * K_CODES, 0:1]
    probs = cnt * (1.0 / N_TOK)
    ent = -jnp.sum(probs * jnp.log(probs + 1e-10))
    perp_ref[...] = jnp.exp(ent).reshape(1, 1)
    uniq_ref[...] = jnp.sum((cnt > 0.0).astype(jnp.int32)).reshape(1, 1)
    vq = sumsq_ref[...] * (1.0 / (N_TOK * D))
    vq_ref[...] = vq
    commit_ref[...] = BETA * vq


_stats = pl.pallas_call(
    _stats_body,
    out_shape=[
        jax.ShapeDtypeStruct((1, 1), jnp.float32),
        jax.ShapeDtypeStruct((1, 1), jnp.float32),
        jax.ShapeDtypeStruct((1, 1), jnp.float32),
        jax.ShapeDtypeStruct((1, 1), jnp.int32),
    ],
)


def kernel(z_feats, batch_ids, codebook):
    del batch_ids
    z2 = jnp.sum(z_feats ** 2, axis=1, keepdims=True)
    c2 = jnp.sum(codebook ** 2, axis=1, keepdims=True)
    one_n = jnp.ones((N_TOK, 1), jnp.float32)
    one_k = jnp.ones((K_CODES, 1), jnp.float32)
    padz = jnp.zeros((N_TOK, DA - D - 2), jnp.float32)
    padc = jnp.zeros((K_CODES, DA - D - 2), jnp.float32)
    zaug = jnp.concatenate([-2.0 * z_feats, z2, one_n, padz], axis=1)
    caug = jnp.concatenate([codebook, one_k, c2, padc], axis=1)
    idx2, sumsq = _assign(zaug, caug)
    idx = idx2.reshape(N_TOK)
    zeros = jnp.zeros((_HROWS, _HW), jnp.float32)
    ones = jnp.ones((_CH, _HW), jnp.float32)
    quantized, counts = _sc_gather_hist()(idx, codebook, zeros, ones)
    vq, commit, perp, uniq = _stats(counts, sumsq)
    return (quantized, vq[0, 0], commit[0, 0], idx,
            perp[0, 0], uniq[0, 0])

# --- scband reference (transcript-rebuilt; emitter-appended) ---
"""Pipeline reference for scband-sparse-sdfvqvae-10711648436603 (READ-ONLY COPY).

The authoritative reference and input builder live on the scoring server;
editing this copy changes nothing except your own understanding.
"""

import jax, jax.numpy as jnp
import numpy as np

NUM_EMBEDDINGS = 8192
EMBEDDING_DIM = 64
BETA = 0.25
N_TOKENS = 16384
N_BATCH = 16


def setup_inputs(seed: int = 0) -> dict:
    key = jax.random.key(seed)
    k1, k2, k3 = jax.random.split(key, 3)
    z_feats = jax.random.normal(k1, (N_TOKENS, EMBEDDING_DIM), dtype=jnp.float32)
    batch_ids = jnp.sort(jax.random.randint(k2, (N_TOKENS,), 0, N_BATCH)).astype(jnp.int64)
    # learned codebook (nn.Embedding weight, init normal(0,1))
    codebook = jax.random.normal(k3, (NUM_EMBEDDINGS, EMBEDDING_DIM), dtype=jnp.float32)
    return {"z_feats": z_feats, "batch_ids": batch_ids, "codebook": codebook}


def reference(z_feats, batch_ids, codebook):
    # torch.cdist(z, codebook): euclidean distances [N, K]
    z2 = jnp.sum(z_feats ** 2, axis=1, keepdims=True)
    c2 = jnp.sum(codebook ** 2, axis=1)
    sq = z2 - 2.0 * (z_feats @ codebook.T) + c2[None, :]
    distances = jnp.sqrt(jnp.maximum(sq, 0.0))
    encoding_indices = jnp.argmin(distances, axis=1)
    # embedding lookup of selected codes
    quantized = jnp.take(codebook, encoding_indices, axis=0)
    # losses (gradient-update mode, use_ema_update=False)
    commitment_loss = BETA * jnp.mean((jax.lax.stop_gradient(quantized) - z_feats) ** 2)
    vq_loss = jnp.mean((quantized - jax.lax.stop_gradient(z_feats)) ** 2)
    # straight-through estimator
    quantized_st = z_feats + jax.lax.stop_gradient(quantized - z_feats)
    # codebook usage stats (batch-level): one-hot mean -> entropy -> perplexity
    counts = jnp.bincount(encoding_indices, length=NUM_EMBEDDINGS)
    probs = counts.astype(jnp.float32) / encoding_indices.shape[0]
    entropy = -jnp.sum(probs * jnp.log(probs + 1e-10))
    perplexity = jnp.exp(entropy)
    unique_count = jnp.sum(counts > 0)
    return quantized_st, vq_loss, commitment_loss, encoding_indices, perplexity, unique_count

if __name__ == "__main__":
    import jax
    _d = setup_inputs()
    print(jax.jit(kernel)(*tuple(_d.values())))

</pallas_src>

<mosaic_0001>
#map = affine_map<(d0, d1) -> (0)>
#map1 = affine_map<(d0, d1) -> (0, 0)>
module attributes {stable_mosaic.version = 14 : i64} {
  func.func @_sc_body(%arg0: i32, %arg1: i32, %arg2: memref<16384xi32, #tpu.memory_space<hbm>>, %arg3: memref<8192x64xf32, #tpu.memory_space<hbm>>, %arg4: memref<512x16xf32, #tpu.memory_space<hbm>>, %arg5: memref<128x16xf32, #tpu.memory_space<hbm>>, %arg6: memref<16384x64xf32, #tpu.memory_space<hbm>>, %arg7: memref<16384x16xf32, #tpu.memory_space<hbm>>, %arg8: memref<128xi32, #tpu.memory_space<vmem>>, %arg9: memref<128xi32, #tpu.memory_space<vmem>>, %arg10: memref<128xi32, #tpu.memory_space<vmem>>, %arg11: memref<128xi32, #tpu.memory_space<vmem>>, %arg12: memref<512x64xf32, #tpu.memory_space<vmem>>, %arg13: memref<128x16xf32, #tpu.memory_space<vmem>>, %arg14: memref<8192x16xf32, #tpu.memory_space<vmem_shared>>, %arg15: memref<!tpu.dma_semaphore, #tpu.memory_space<semaphore_mem>>) attributes {dimension_semantics = [#tpu.dimension_semantics<core_parallel>, #tpu.dimension_semantics<subcore_parallel>], iteration_bounds = array<i64: 2, 16>, scalar_prefetch = 0 : i64, scratch_operands = 8 : i64, tpu.core_type = #tpu.core_type<sc_vector_subcore>, window_params = [{transform_indices = #map}, {transform_indices = #map1}, {transform_indices = #map1}, {transform_indices = #map1}, {transform_indices = #map1}, {transform_indices = #map1}]} {
    %mul3A = arith.constant 2 : i32
    %mul3A_0 = arith.muli %arg1, %mul3A : i32
    %add3A = arith.addi %mul3A_0, %arg0 : i32
    %mul3A_1 = arith.constant 512 : i32
    %mul3A_2 = arith.muli %add3A, %mul3A_1 : i32
    %add3A_3 = arith.constant 0 : i32
    %add3A_4 = arith.addi %mul3A_2, %add3A_3 : i32
    "tpu.region"() ({
      %run_scoped3A = tpu.sem_alloc : memref<!tpu.dma_semaphore, #tpu.memory_space<semaphore_mem>>
      %dma_start3A_67 = tpu.memref_slice %arg2[%add3A_4] : memref<16384xi32, #tpu.memory_space<hbm>> -> memref<128xi32, #tpu.memory_space<hbm>>
      %dma_start3A_68 = tpu.memref_slice %arg2[%add3A_4] : memref<16384xi32, #tpu.memory_space<hbm>> -> memref<128xi32, #tpu.memory_space<hbm>>
      tpu.enqueue_dma source(%dma_start3A_68 : memref<128xi32, #tpu.memory_space<hbm>>) target(%arg8 : memref<128xi32, #tpu.memory_space<vmem>>) target_semaphore(%run_scoped3A : memref<!tpu.dma_semaphore, #tpu.memory_space<semaphore_mem>>)
      %dma_wait3A_69 = tpu.memref_slice %arg2[%add3A_4] : memref<16384xi32, #tpu.memory_space<hbm>> -> memref<128xi32, #tpu.memory_space<hbm>>
      %dma_wait3A_70 = tpu.memref_slice %arg2[%add3A_4] : memref<16384xi32, #tpu.memory_space<hbm>> -> memref<128xi32, #tpu.memory_space<hbm>>
      tpu.wait_dma2 semaphore(%run_scoped3A : memref<!tpu.dma_semaphore, #tpu.memory_space<semaphore_mem>>) src(%dma_wait3A_70 : memref<128xi32, #tpu.memory_space<hbm>>) dst(%arg8 : memref<128xi32, #tpu.memory_space<vmem>>)
      tpu.yield
    }) : () -> ()
    %add3A_5 = arith.constant 128 : i32
    %add3A_6 = arith.addi %mul3A_2, %add3A_5 : i32
    "tpu.region"() ({
      %run_scoped3A = tpu.sem_alloc : memref<!tpu.dma_semaphore, #tpu.memory_space<semaphore_mem>>
      %dma_start3A_67 = tpu.memref_slice %arg2[%add3A_6] : memref<16384xi32, #tpu.memory_space<hbm>> -> memref<128xi32, #tpu.memory_space<hbm>>
      %dma_start3A_68 = tpu.memref_slice %arg2[%add3A_6] : memref<16384xi32, #tpu.memory_space<hbm>> -> memref<128xi32, #tpu.memory_space<hbm>>
      tpu.enqueue_dma source(%dma_start3A_68 : memref<128xi32, #tpu.memory_space<hbm>>) target(%arg9 : memref<128xi32, #tpu.memory_space<vmem>>) target_semaphore(%run_scoped3A : memref<!tpu.dma_semaphore, #tpu.memory_space<semaphore_mem>>)
      %dma_wait3A_69 = tpu.memref_slice %arg2[%add3A_6] : memref<16384xi32, #tpu.memory_space<hbm>> -> memref<128xi32, #tpu.memory_space<hbm>>
      %dma_wait3A_70 = tpu.memref_slice %arg2[%add3A_6] : memref<16384xi32, #tpu.memory_space<hbm>> -> memref<128xi32, #tpu.memory_space<hbm>>
      tpu.wait_dma2 semaphore(%run_scoped3A : memref<!tpu.dma_semaphore, #tpu.memory_space<semaphore_mem>>) src(%dma_wait3A_70 : memref<128xi32, #tpu.memory_space<hbm>>) dst(%arg9 : memref<128xi32, #tpu.memory_space<vmem>>)
      tpu.yield
    }) : () -> ()
    %add3A_7 = arith.constant 256 : i32
    %add3A_8 = arith.addi %mul3A_2, %add3A_7 : i32
    "tpu.region"() ({
      %run_scoped3A = tpu.sem_alloc : memref<!tpu.dma_semaphore, #tpu.memory_space<semaphore_mem>>
      %dma_start3A_67 = tpu.memref_slice %arg2[%add3A_8] : memref<16384xi32, #tpu.memory_space<hbm>> -> memref<128xi32, #tpu.memory_space<hbm>>
      %dma_start3A_68 = tpu.memref_slice %arg2[%add3A_8] : memref<16384xi32, #tpu.memory_space<hbm>> -> memref<128xi32, #tpu.memory_space<hbm>>
      tpu.enqueue_dma source(%dma_start3A_68 : memref<128xi32, #tpu.memory_space<hbm>>) target(%arg10 : memref<128xi32, #tpu.memory_space<vmem>>) target_semaphore(%run_scoped3A : memref<!tpu.dma_semaphore, #tpu.memory_space<semaphore_mem>>)
      %dma_wait3A_69 = tpu.memref_slice %arg2[%add3A_8] : memref<16384xi32, #tpu.memory_space<hbm>> -> memref<128xi32, #tpu.memory_space<hbm>>
      %dma_wait3A_70 = tpu.memref_slice %arg2[%add3A_8] : memref<16384xi32, #tpu.memory_space<hbm>> -> memref<128xi32, #tpu.memory_space<hbm>>
      tpu.wait_dma2 semaphore(%run_scoped3A : memref<!tpu.dma_semaphore, #tpu.memory_space<semaphore_mem>>) src(%dma_wait3A_70 : memref<128xi32, #tpu.memory_space<hbm>>) dst(%arg10 : memref<128xi32, #tpu.memory_space<vmem>>)
      tpu.yield
    }) : () -> ()
    %add3A_9 = arith.constant 384 : i32
    %add3A_10 = arith.addi %mul3A_2, %add3A_9 : i32
    "tpu.region"() ({
      %run_scoped3A = tpu.sem_alloc : memref<!tpu.dma_semaphore, #tpu.memory_space<semaphore_mem>>
      %dma_start3A_67 = tpu.memref_slice %arg2[%add3A_10] : memref<16384xi32, #tpu.memory_space<hbm>> -> memref<128xi32, #tpu.memory_space<hbm>>
      %dma_start3A_68 = tpu.memref_slice %arg2[%add3A_10] : memref<16384xi32, #tpu.memory_space<hbm>> -> memref<128xi32, #tpu.memory_space<hbm>>
      tpu.enqueue_dma source(%dma_start3A_68 : memref<128xi32, #tpu.memory_space<hbm>>) target(%arg11 : memref<128xi32, #tpu.memory_space<vmem>>) target_semaphore(%run_scoped3A : memref<!tpu.dma_semaphore, #tpu.memory_space<semaphore_mem>>)
      %dma_wait3A_69 = tpu.memref_slice %arg2[%add3A_10] : memref<16384xi32, #tpu.memory_space<hbm>> -> memref<128xi32, #tpu.memory_space<hbm>>
      %dma_wait3A_70 = tpu.memref_slice %arg2[%add3A_10] : memref<16384xi32, #tpu.memory_space<hbm>> -> memref<128xi32, #tpu.memory_space<hbm>>
      tpu.wait_dma2 semaphore(%run_scoped3A : memref<!tpu.dma_semaphore, #tpu.memory_space<semaphore_mem>>) src(%dma_wait3A_70 : memref<128xi32, #tpu.memory_space<hbm>>) dst(%arg11 : memref<128xi32, #tpu.memory_space<vmem>>)
      tpu.yield
    }) : () -> ()
    %dma_start3A = arith.constant 0 : i32
    %dma_start3A_11 = arith.constant 0 : i32
    %dma_start3A_12 = tpu.memref_slice %arg12[%dma_start3A, %dma_start3A_11] : memref<512x64xf32, #tpu.memory_space<vmem>> -> memref<128x64xf32, #tpu.memory_space<vmem>>
    %dma_start3A_13 = arith.constant 0 : i32
    %dma_start3A_14 = arith.constant 0 : i32
    %dma_start3A_15 = tpu.memref_slice %arg3[%dma_start3A_13, %dma_start3A_14] : memref<8192x64xf32, #tpu.memory_space<hbm>> -> memref<8192x64xf32, #tpu.memory_space<hbm>>
    tpu.enqueue_indirect_dma source(%dma_start3A_15 : memref<8192x64xf32, #tpu.memory_space<hbm>>) target(%dma_start3A_12 : memref<128x64xf32, #tpu.memory_space<vmem>>) offsets(%arg8 : memref<128xi32, #tpu.memory_space<vmem>>) semaphore(%arg15 : memref<!tpu.dma_semaphore, #tpu.memory_space<semaphore_mem>>)
    %dma_start3A_16 = arith.constant 128 : i32
    %dma_start3A_17 = arith.constant 0 : i32
    %dma_start3A_18 = tpu.memref_slice %arg12[%dma_start3A_16, %dma_start3A_17] : memref<512x64xf32, #tpu.memory_space<vmem>> -> memref<128x64xf32, #tpu.memory_space<vmem>>
    %dma_start3A_19 = arith.constant 0 : i32
    %dma_start3A_20 = arith.constant 0 : i32
    %dma_start3A_21 = tpu.memref_slice %arg3[%dma_start3A_19, %dma_start3A_20] : memref<8192x64xf32, #tpu.memory_space<hbm>> -> memref<8192x64xf32, #tpu.memory_space<hbm>>
    tpu.enqueue_indirect_dma source(%dma_start3A_21 : memref<8192x64xf32, #tpu.memory_space<hbm>>) target(%dma_start3A_18 : memref<128x64xf32, #tpu.memory_space<vmem>>) offsets(%arg9 : memref<128xi32, #tpu.memory_space<vmem>>) semaphore(%arg15 : memref<!tpu.dma_semaphore, #tpu.memory_space<semaphore_mem>>)
    %dma_start3A_22 = arith.constant 256 : i32
    %dma_start3A_23 = arith.constant 0 : i32
    %dma_start3A_24 = tpu.memref_slice %arg12[%dma_start3A_22, %dma_start3A_23] : memref<512x64xf32, #tpu.memory_space<vmem>> -> memref<128x64xf32, #tpu.memory_space<vmem>>
    %dma_start3A_25 = arith.constant 0 : i32
    %dma_start3A_26 = arith.constant 0 : i32
    %dma_start3A_27 = tpu.memref_slice %arg3[%dma_start3A_25, %dma_start3A_26] : memref<8192x64xf32, #tpu.memory_space<hbm>> -> memref<8192x64xf32, #tpu.memory_space<hbm>>
    tpu.enqueue_indirect_dma source(%dma_start3A_27 : memref<8192x64xf32, #tpu.memory_space<hbm>>) target(%dma_start3A_24 : memref<128x64xf32, #tpu.memory_space<vmem>>) offsets(%arg10 : memref<128xi32, #tpu.memory_space<vmem>>) semaphore(%arg15 : memref<!tpu.dma_semaphore, #tpu.memory_space<semaphore_mem>>)
    %dma_start3A_28 = arith.constant 384 : i32
    %dma_start3A_29 = arith.constant 0 : i32
    %dma_start3A_30 = tpu.memref_slice %arg12[%dma_start3A_28, %dma_start3A_29] : memref<512x64xf32, #tpu.memory_space<vmem>> -> memref<128x64xf32, #tpu.memory_space<vmem>>
    %dma_start3A_31 = arith.constant 0 : i32
    %dma_start3A_32 = arith.constant 0 : i32
    %dma_start3A_33 = tpu.memref_slice %arg3[%dma_start3A_31, %dma_start3A_32] : memref<8192x64xf32, #tpu.memory_space<hbm>> -> memref<8192x64xf32, #tpu.memory_space<hbm>>
    tpu.enqueue_indirect_dma source(%dma_start3A_33 : memref<8192x64xf32, #tpu.memory_space<hbm>>) target(%dma_start3A_30 : memref<128x64xf32, #tpu.memory_space<vmem>>) offsets(%arg11 : memref<128xi32, #tpu.memory_space<vmem>>) semaphore(%arg15 : memref<!tpu.dma_semaphore, #tpu.memory_space<semaphore_mem>>)
    %mul3A_34 = arith.constant 512 : i32
    %mul3A_35 = arith.muli %arg1, %mul3A_34 : i32
    "tpu.region"() ({
      %run_scoped3A = tpu.sem_alloc : memref<!tpu.dma_semaphore, #tpu.memory_space<semaphore_mem>>
      %dma_start3A_67 = arith.constant 0 : i32
      %dma_start3A_68 = tpu.memref_slice %arg14[%mul3A_35, %dma_start3A_67] : memref<8192x16xf32, #tpu.memory_space<vmem_shared>> -> memref<512x16xf32, #tpu.memory_space<vmem_shared>>
      tpu.enqueue_dma source(%arg4 : memref<512x16xf32, #tpu.memory_space<hbm>>) target(%dma_start3A_68 : memref<512x16xf32, #tpu.memory_space<vmem_shared>>) target_semaphore(%run_scoped3A : memref<!tpu.dma_semaphore, #tpu.memory_space<semaphore_mem>>)
      %dma_wait3A_69 = arith.constant 0 : i32
      %dma_wait3A_70 = tpu.memref_slice %arg14[%mul3A_35, %dma_wait3A_69] : memref<8192x16xf32, #tpu.memory_space<vmem_shared>> -> memref<512x16xf32, #tpu.memory_space<vmem_shared>>
      tpu.wait_dma2 semaphore(%run_scoped3A : memref<!tpu.dma_semaphore, #tpu.memory_space<semaphore_mem>>) src(%arg4 : memref<512x16xf32, #tpu.memory_space<hbm>>) dst(%dma_wait3A_70 : memref<512x16xf32, #tpu.memory_space<vmem_shared>>)
      tpu.yield
    }) : () -> ()
    "tpu.region"() ({
      %run_scoped3A = tpu.sem_alloc : memref<!tpu.dma_semaphore, #tpu.memory_space<semaphore_mem>>
      tpu.enqueue_dma source(%arg5 : memref<128x16xf32, #tpu.memory_space<hbm>>) target(%arg13 : memref<128x16xf32, #tpu.memory_space<vmem>>) target_semaphore(%run_scoped3A : memref<!tpu.dma_semaphore, #tpu.memory_space<semaphore_mem>>)
      tpu.wait_dma2 semaphore(%run_scoped3A : memref<!tpu.dma_semaphore, #tpu.memory_space<semaphore_mem>>) src(%arg5 : memref<128x16xf32, #tpu.memory_space<hbm>>) dst(%arg13 : memref<128x16xf32, #tpu.memory_space<vmem>>)
      tpu.yield
    }) : () -> ()
    %barrier3A = arith.constant 0 : index
    tpu.barrier barrier_id(%barrier3A)
    "tpu.region"() ({
      %run_scoped3A = tpu.sem_alloc : memref<!tpu.dma_semaphore, #tpu.memory_space<semaphore_mem>>
      %dma_start3A_67 = arith.constant 0 : i32
      %dma_start3A_68 = arith.constant 0 : i32
      %dma_start3A_69 = tpu.memref_slice %arg14[%dma_start3A_67, %dma_start3A_68] : memref<8192x16xf32, #tpu.memory_space<vmem_shared>> -> memref<8192x16xf32, #tpu.memory_space<vmem_shared>>
      tpu.enqueue_indirect_dma source(%arg13 : memref<128x16xf32, #tpu.memory_space<vmem>>) target(%dma_start3A_69 : memref<8192x16xf32, #tpu.memory_space<vmem_shared>>) offsets(%arg8 : memref<128xi32, #tpu.memory_space<vmem>>) semaphore(%run_scoped3A : memref<!tpu.dma_semaphore, #tpu.memory_space<semaphore_mem>>) {add = true}
      %dma_wait3A_70 = arith.constant 0 : i32
      %dma_wait3A_71 = arith.constant 0 : i32
      %dma_wait3A_72 = tpu.memref_slice %arg14[%dma_wait3A_70, %dma_wait3A_71] : memref<8192x16xf32, #tpu.memory_space<vmem_shared>> -> memref<8192x16xf32, #tpu.memory_space<vmem_shared>>
      tpu.wait_indirect_dma semaphore(%run_scoped3A : memref<!tpu.dma_semaphore, #tpu.memory_space<semaphore_mem>>) src(%arg13 : memref<128x16xf32, #tpu.memory_space<vmem>>) dst(%dma_wait3A_72 : memref<8192x16xf32, #tpu.memory_space<vmem_shared>>)
      tpu.yield
    }) : () -> ()
    "tpu.region"() ({
      %run_scoped3A = tpu.sem_alloc : memref<!tpu.dma_semaphore, #tpu.memory_space<semaphore_mem>>
      %dma_start3A_67 = arith.constant 0 : i32
      %dma_start3A_68 = arith.constant 0 : i32
      %dma_start3A_69 = tpu.memref_slice %arg14[%dma_start3A_67, %dma_start3A_68] : memref<8192x16xf32, #tpu.memory_space<vmem_shared>> -> memref<8192x16xf32, #tpu.memory_space<vmem_shared>>
      tpu.enqueue_indirect_dma source(%arg13 : memref<128x16xf32, #tpu.memory_space<vmem>>) target(%dma_start3A_69 : memref<8192x16xf32, #tpu.memory_space<vmem_shared>>) offsets(%arg9 : memref<128xi32, #tpu.memory_space<vmem>>) semaphore(%run_scoped3A : memref<!tpu.dma_semaphore, #tpu.memory_space<semaphore_mem>>) {add = true}
      %dma_wait3A_70 = arith.constant 0 : i32
      %dma_wait3A_71 = arith.constant 0 : i32
      %dma_wait3A_72 = tpu.memref_slice %arg14[%dma_wait3A_70, %dma_wait3A_71] : memref<8192x16xf32, #tpu.memory_space<vmem_shared>> -> memref<8192x16xf32, #tpu.memory_space<vmem_shared>>
      tpu.wait_indirect_dma semaphore(%run_scoped3A : memref<!tpu.dma_semaphore, #tpu.memory_space<semaphore_mem>>) src(%arg13 : memref<128x16xf32, #tpu.memory_space<vmem>>) dst(%dma_wait3A_72 : memref<8192x16xf32, #tpu.memory_space<vmem_shared>>)
      tpu.yield
    }) : () -> ()
    "tpu.region"() ({
      %run_scoped3A = tpu.sem_alloc : memref<!tpu.dma_semaphore, #tpu.memory_space<semaphore_mem>>
      %dma_start3A_67 = arith.constant 0 : i32
      %dma_start3A_68 = arith.constant 0 : i32
      %dma_start3A_69 = tpu.memref_slice %arg14[%dma_start3A_67, %dma_start3A_68] : memref<8192x16xf32, #tpu.memory_space<vmem_shared>> -> memref<8192x16xf32, #tpu.memory_space<vmem_shared>>
      tpu.enqueue_indirect_dma source(%arg13 : memref<128x16xf32, #tpu.memory_space<vmem>>) target(%dma_start3A_69 : memref<8192x16xf32, #tpu.memory_space<vmem_shared>>) offsets(%arg10 : memref<128xi32, #tpu.memory_space<vmem>>) semaphore(%run_scoped3A : memref<!tpu.dma_semaphore, #tpu.memory_space<semaphore_mem>>) {add = true}
      %dma_wait3A_70 = arith.constant 0 : i32
      %dma_wait3A_71 = arith.constant 0 : i32
      %dma_wait3A_72 = tpu.memref_slice %arg14[%dma_wait3A_70, %dma_wait3A_71] : memref<8192x16xf32, #tpu.memory_space<vmem_shared>> -> memref<8192x16xf32, #tpu.memory_space<vmem_shared>>
      tpu.wait_indirect_dma semaphore(%run_scoped3A : memref<!tpu.dma_semaphore, #tpu.memory_space<semaphore_mem>>) src(%arg13 : memref<128x16xf32, #tpu.memory_space<vmem>>) dst(%dma_wait3A_72 : memref<8192x16xf32, #tpu.memory_space<vmem_shared>>)
      tpu.yield
    }) : () -> ()
    "tpu.region"() ({
      %run_scoped3A = tpu.sem_alloc : memref<!tpu.dma_semaphore, #tpu.memory_space<semaphore_mem>>
      %dma_start3A_67 = arith.constant 0 : i32
      %dma_start3A_68 = arith.constant 0 : i32
      %dma_start3A_69 = tpu.memref_slice %arg14[%dma_start3A_67, %dma_start3A_68] : memref<8192x16xf32, #tpu.memory_space<vmem_shared>> -> memref<8192x16xf32, #tpu.memory_space<vmem_shared>>
      tpu.enqueue_indirect_dma source(%arg13 : memref<128x16xf32, #tpu.memory_space<vmem>>) target(%dma_start3A_69 : memref<8192x16xf32, #tpu.memory_space<vmem_shared>>) offsets(%arg11 : memref<128xi32, #tpu.memory_space<vmem>>) semaphore(%run_scoped3A : memref<!tpu.dma_semaphore, #tpu.memory_space<semaphore_mem>>) {add = true}
      %dma_wait3A_70 = arith.constant 0 : i32
      %dma_wait3A_71 = arith.constant 0 : i32
      %dma_wait3A_72 = tpu.memref_slice %arg14[%dma_wait3A_70, %dma_wait3A_71] : memref<8192x16xf32, #tpu.memory_space<vmem_shared>> -> memref<8192x16xf32, #tpu.memory_space<vmem_shared>>
      tpu.wait_indirect_dma semaphore(%run_scoped3A : memref<!tpu.dma_semaphore, #tpu.memory_space<semaphore_mem>>) src(%arg13 : memref<128x16xf32, #tpu.memory_space<vmem>>) dst(%dma_wait3A_72 : memref<8192x16xf32, #tpu.memory_space<vmem_shared>>)
      tpu.yield
    }) : () -> ()
    %barrier3A_36 = arith.constant 0 : index
    tpu.barrier barrier_id(%barrier3A_36)
    %mul3A_37 = arith.constant 8192 : i32
    %mul3A_38 = arith.muli %arg0, %mul3A_37 : i32
    %mul3A_39 = arith.constant 512 : i32
    %mul3A_40 = arith.muli %arg1, %mul3A_39 : i32
    %add3A_41 = arith.addi %mul3A_38, %mul3A_40 : i32
    %mul3A_42 = arith.constant 512 : i32
    %mul3A_43 = arith.muli %arg1, %mul3A_42 : i32
    "tpu.region"() ({
      %run_scoped3A = tpu.sem_alloc : memref<!tpu.dma_semaphore, #tpu.memory_space<semaphore_mem>>
      %dma_start3A_67 = arith.constant 0 : i32
      %dma_start3A_68 = tpu.memref_slice %arg7[%add3A_41, %dma_start3A_67] : memref<16384x16xf32, #tpu.memory_space<hbm>> -> memref<512x16xf32, #tpu.memory_space<hbm>>
      %dma_start3A_69 = arith.constant 0 : i32
      %dma_start3A_70 = tpu.memref_slice %arg14[%mul3A_43, %dma_start3A_69] : memref<8192x16xf32, #tpu.memory_space<vmem_shared>> -> memref<512x16xf32, #tpu.memory_space<vmem_shared>>
      tpu.enqueue_dma source(%dma_start3A_70 : memref<512x16xf32, #tpu.memory_space<vmem_shared>>) target(%dma_start3A_68 : memref<512x16xf32, #tpu.memory_space<hbm>>) target_semaphore(%run_scoped3A : memref<!tpu.dma_semaphore, #tpu.memory_space<semaphore_mem>>)
      %dma_wait3A_71 = arith.constant 0 : i32
      %dma_wait3A_72 = tpu.memref_slice %arg7[%add3A_41, %dma_wait3A_71] : memref<16384x16xf32, #tpu.memory_space<hbm>> -> memref<512x16xf32, #tpu.memory_space<hbm>>
      %dma_wait3A_73 = arith.constant 0 : i32
      %dma_wait3A_74 = tpu.memref_slice %arg14[%mul3A_43, %dma_wait3A_73] : memref<8192x16xf32, #tpu.memory_space<vmem_shared>> -> memref<512x16xf32, #tpu.memory_space<vmem_shared>>
      tpu.wait_dma2 semaphore(%run_scoped3A : memref<!tpu.dma_semaphore, #tpu.memory_space<semaphore_mem>>) src(%dma_wait3A_74 : memref<512x16xf32, #tpu.memory_space<vmem_shared>>) dst(%dma_wait3A_72 : memref<512x16xf32, #tpu.memory_space<hbm>>)
      tpu.yield
    }) : () -> ()
    %dma_wait3A = arith.constant 0 : i32
    %dma_wait3A_44 = arith.constant 0 : i32
    %dma_wait3A_45 = tpu.memref_slice %arg12[%dma_wait3A, %dma_wait3A_44] : memref<512x64xf32, #tpu.memory_space<vmem>> -> memref<128x64xf32, #tpu.memory_space<vmem>>
    %dma_wait3A_46 = arith.constant 0 : i32
    %dma_wait3A_47 = arith.constant 0 : i32
    %dma_wait3A_48 = tpu.memref_slice %arg3[%dma_wait3A_46, %dma_wait3A_47] : memref<8192x64xf32, #tpu.memory_space<hbm>> -> memref<8192x64xf32, #tpu.memory_space<hbm>>
    tpu.wait_indirect_dma semaphore(%arg15 : memref<!tpu.dma_semaphore, #tpu.memory_space<semaphore_mem>>) src(%dma_wait3A_48 : memref<8192x64xf32, #tpu.memory_space<hbm>>) dst(%dma_wait3A_45 : memref<128x64xf32, #tpu.memory_space<vmem>>)
    %dma_wait3A_49 = arith.constant 128 : i32
    %dma_wait3A_50 = arith.constant 0 : i32
    %dma_wait3A_51 = tpu.memref_slice %arg12[%dma_wait3A_49, %dma_wait3A_50] : memref<512x64xf32, #tpu.memory_space<vmem>> -> memref<128x64xf32, #tpu.memory_space<vmem>>
    %dma_wait3A_52 = arith.constant 0 : i32
    %dma_wait3A_53 = arith.constant 0 : i32
    %dma_wait3A_54 = tpu.memref_slice %arg3[%dma_wait3A_52, %dma_wait3A_53] : memref<8192x64xf32, #tpu.memory_space<hbm>> -> memref<8192x64xf32, #tpu.memory_space<hbm>>
    tpu.wait_indirect_dma semaphore(%arg15 : memref<!tpu.dma_semaphore, #tpu.memory_space<semaphore_mem>>) src(%dma_wait3A_54 : memref<8192x64xf32, #tpu.memory_space<hbm>>) dst(%dma_wait3A_51 : memref<128x64xf32, #tpu.memory_space<vmem>>)
    %dma_wait3A_55 = arith.constant 256 : i32
    %dma_wait3A_56 = arith.constant 0 : i32
    %dma_wait3A_57 = tpu.memref_slice %arg12[%dma_wait3A_55, %dma_wait3A_56] : memref<512x64xf32, #tpu.memory_space<vmem>> -> memref<128x64xf32, #tpu.memory_space<vmem>>
    %dma_wait3A_58 = arith.constant 0 : i32
    %dma_wait3A_59 = arith.constant 0 : i32
    %dma_wait3A_60 = tpu.memref_slice %arg3[%dma_wait3A_58, %dma_wait3A_59] : memref<8192x64xf32, #tpu.memory_space<hbm>> -> memref<8192x64xf32, #tpu.memory_space<hbm>>
    tpu.wait_indirect_dma semaphore(%arg15 : memref<!tpu.dma_semaphore, #tpu.memory_space<semaphore_mem>>) src(%dma_wait3A_60 : memref<8192x64xf32, #tpu.memory_space<hbm>>) dst(%dma_wait3A_57 : memref<128x64xf32, #tpu.memory_space<vmem>>)
    %dma_wait3A_61 = arith.constant 384 : i32
    %dma_wait3A_62 = arith.constant 0 : i32
    %dma_wait3A_63 = tpu.memref_slice %arg12[%dma_wait3A_61, %dma_wait3A_62] : memref<512x64xf32, #tpu.memory_space<vmem>> -> memref<128x64xf32, #tpu.memory_space<vmem>>
    %dma_wait3A_64 = arith.constant 0 : i32
    %dma_wait3A_65 = arith.constant 0 : i32
    %dma_wait3A_66 = tpu.memref_slice %arg3[%dma_wait3A_64, %dma_wait3A_65] : memref<8192x64xf32, #tpu.memory_space<hbm>> -> memref<8192x64xf32, #tpu.memory_space<hbm>>
    tpu.wait_indirect_dma semaphore(%arg15 : memref<!tpu.dma_semaphore, #tpu.memory_space<semaphore_mem>>) src(%dma_wait3A_66 : memref<8192x64xf32, #tpu.memory_space<hbm>>) dst(%dma_wait3A_63 : memref<128x64xf32, #tpu.memory_space<vmem>>)
    "tpu.region"() ({
      %run_scoped3A = tpu.sem_alloc : memref<!tpu.dma_semaphore, #tpu.memory_space<semaphore_mem>>
      %dma_start3A_67 = arith.constant 0 : i32
      %dma_start3A_68 = tpu.memref_slice %arg6[%mul3A_2, %dma_start3A_67] : memref<16384x64xf32, #tpu.memory_space<hbm>> -> memref<512x64xf32, #tpu.memory_space<hbm>>
      %dma_start3A_69 = arith.constant 0 : i32
      %dma_start3A_70 = tpu.memref_slice %arg6[%mul3A_2, %dma_start3A_69] : memref<16384x64xf32, #tpu.memory_space<hbm>> -> memref<512x64xf32, #tpu.memory_space<hbm>>
      tpu.enqueue_dma source(%arg12 : memref<512x64xf32, #tpu.memory_space<vmem>>) target(%dma_start3A_70 : memref<512x64xf32, #tpu.memory_space<hbm>>) target_semaphore(%run_scoped3A : memref<!tpu.dma_semaphore, #tpu.memory_space<semaphore_mem>>)
      %dma_wait3A_71 = arith.constant 0 : i32
      %dma_wait3A_72 = tpu.memref_slice %arg6[%mul3A_2, %dma_wait3A_71] : memref<16384x64xf32, #tpu.memory_space<hbm>> -> memref<512x64xf32, #tpu.memory_space<hbm>>
      %dma_wait3A_73 = arith.constant 0 : i32
      %dma_wait3A_74 = tpu.memref_slice %arg6[%mul3A_2, %dma_wait3A_73] : memref<16384x64xf32, #tpu.memory_space<hbm>> -> memref<512x64xf32, #tpu.memory_space<hbm>>
      tpu.wait_dma2 semaphore(%run_scoped3A : memref<!tpu.dma_semaphore, #tpu.memory_space<semaphore_mem>>) src(%arg12 : memref<512x64xf32, #tpu.memory_space<vmem>>) dst(%dma_wait3A_74 : memref<512x64xf32, #tpu.memory_space<hbm>>)
      tpu.yield
    }) : () -> ()
    return
  }
}

module attributes {stable_mosaic.version = 14 : i64} {
  func.func @_assign_body(%arg0: i32, %arg1: i32, %arg2: memref<1024x72xf32, #tpu.memory_space<vmem>>, %arg3: memref<8192x72xf32, #tpu.memory_space<vmem>>, %arg4: memref<1024x1xi32, #tpu.memory_space<vmem>>, %arg5: memref<1x1xf32, #tpu.memory_space<vmem>>, %arg6: memref<1024x1xi32, #tpu.memory_space<vmem>>) attributes {dimension_semantics = [#tpu.dimension_semantics<arbitrary>, #tpu.dimension_semantics<arbitrary>], iteration_bounds = array<i64: 16, 1>, scalar_prefetch = 0 : i64, scratch_operands = 1 : i64, tpu.core_type = #tpu.core_type<tc>, window_params = [{transform_indices = @transform_0, window_bounds = array<i64: 1024, 72>}, {transform_indices = @transform_1, window_bounds = array<i64: 8192, 72>}, {transform_indices = @transform_2, window_bounds = array<i64: 1024, 1>}, {pipeline_mode = #tpu.pipeline_mode<synchronous>, transform_indices = @transform_3, window_bounds = array<i64: 1, 1>}]} {
    %eq3A = arith.constant 0 : i32
    %eq3A_0 = arith.cmpi eq, %arg1, %eq3A : i32
    %convert_element_type3A = arith.extui %eq3A_0 : i1 to i32
    %cond3A = arith.constant 0 : i32
    %cond3A_1 = arith.cmpi ne, %convert_element_type3A, %cond3A : i32
    scf.if %cond3A_1 {
      %broadcast_in_dim3A_26 = arith.constant 2147483647 : i32
      %broadcast_in_dim3A_27 = vector.broadcast %broadcast_in_dim3A_26 : i32 to vector<1024x1xi32>
      %swap3A_28 = arith.constant 0 : index
      %swap3A_29 = arith.constant 0 : index
      %swap3A_30 = vector.load %arg6[%swap3A_28, %swap3A_29] : memref<1024x1xi32, #tpu.memory_space<vmem>>, vector<1024x1xi32>
      tpu.vector_store %arg6[%swap3A_28, %swap3A_29], %broadcast_in_dim3A_27 {strides = array<i32>} : memref<1024x1xi32, #tpu.memory_space<vmem>>, vector<1024x1xi32>,
    } else {
    }
    %get3A = arith.constant 0 : index
    %get3A_2 = arith.constant 0 : index
    %get3A_3 = vector.load %arg2[%get3A, %get3A_2] : memref<1024x72xf32, #tpu.memory_space<vmem>>, vector<1024x72xf32>
    %get3A_4 = arith.constant 0 : index
    %get3A_5 = arith.constant 0 : index
    %get3A_6 = vector.load %arg3[%get3A_4, %get3A_5] : memref<8192x72xf32, #tpu.memory_space<vmem>>, vector<8192x72xf32>
    %dot_general3A = arith.constant dense<0.000000e+00> : vector<1024x8192xf32>
    %dot_general3A_7 = tpu.matmul %get3A_3, %get3A_6, %dot_general3A {dimension_numbers = #tpu.dot_dimension_numbers<[1], [1], [0], [0], [0, 0, 1, 0], [], []>, transpose_lhs_hint = false} : vector<1024x72xf32>, vector<8192x72xf32>, vector<1024x8192xf32> -> vector<1024x8192xf32>
    %max3A = arith.constant 0.000000e+00 : f32
    %max3A_8 = vector.broadcast %max3A : f32 to vector<1024x8192xf32>
    %max3A_9 = arith.maximumf %dot_general3A_7, %max3A_8 : vector<1024x8192xf32>
    %bitcast_convert_type3A = tpu.bitcast %max3A_9 : vector<1024x8192xf32> -> vector<1024x8192xi32>
    %and3A = arith.constant -8192 : i32
    %and3A_10 = vector.broadcast %and3A : i32 to vector<1024x8192xi32>
    %and3A_11 = arith.andi %bitcast_convert_type3A, %and3A_10 : vector<1024x8192xi32>
    %iota3A = tpu.iota {dimensions = array<i32: 1>} : vector<1x8192xi32>
    %mul3A = arith.constant 8192 : i32
    %mul3A_12 = arith.muli %arg1, %mul3A : i32
    %add3A = vector.broadcast %mul3A_12 : i32 to vector<1x8192xi32>
    %add3A_13 = arith.addi %iota3A, %add3A : vector<1x8192xi32>
    %or3A = vector.broadcast %add3A_13 : vector<1x8192xi32> to vector<1024x8192xi32>
    %or3A_14 = arith.ori %and3A_11, %or3A : vector<1024x8192xi32>
    %reduce_min3A = arith.constant dense<2147483647> : vector<1024xi32>
    %reduce_min3A_15 = vector.multi_reduction <minsi>, %or3A_14, %reduce_min3A [1] : vector<1024x8192xi32> to vector<1024xi32>
    %broadcast_in_dim3A = vector.shape_cast %reduce_min3A_15 : vector<1024xi32> to vector<1024x1xi32>
    %get3A_16 = arith.constant 0 : index
    %get3A_17 = arith.constant 0 : index
    %get3A_18 = vector.load %arg6[%get3A_16, %get3A_17] : memref<1024x1xi32, #tpu.memory_space<vmem>>, vector<1024x1xi32>
    %min3A = arith.minsi %broadcast_in_dim3A, %get3A_18 : vector<1024x1xi32>
    %swap3A = arith.constant 0 : index
    %swap3A_19 = arith.constant 0 : index
    %swap3A_20 = vector.load %arg6[%swap3A, %swap3A_19] : memref<1024x1xi32, #tpu.memory_space<vmem>>, vector<1024x1xi32>
    tpu.vector_store %arg6[%swap3A, %swap3A_19], %min3A {strides = array<i32>} : memref<1024x1xi32, #tpu.memory_space<vmem>>, vector<1024x1xi32>,
    %eq3A_21 = arith.constant 0 : i32
    %eq3A_22 = arith.cmpi eq, %arg1, %eq3A_21 : i32
    %convert_element_type3A_23 = arith.extui %eq3A_22 : i1 to i32
    %cond3A_24 = arith.constant 0 : i32
    %cond3A_25 = arith.cmpi ne, %convert_element_type3A_23, %cond3A_24 : i32
    scf.if %cond3A_25 {
      %get3A_26 = arith.constant 0 : index
      %get3A_27 = arith.constant 0 : index
      %get3A_28 = vector.load %arg6[%get3A_26, %get3A_27] : memref<1024x1xi32, #tpu.memory_space<vmem>>, vector<1024x1xi32>
      %and3A_29 = arith.constant 8191 : i32
      %and3A_30 = vector.broadcast %and3A_29 : i32 to vector<1024x1xi32>
      %and3A_31 = arith.andi %get3A_28, %and3A_30 : vector<1024x1xi32>
      %swap3A_32 = arith.constant 0 : index
      %swap3A_33 = arith.constant 0 : index
      %swap3A_34 = vector.load %arg4[%swap3A_32, %swap3A_33] : memref<1024x1xi32, #tpu.memory_space<vmem>>, vector<1024x1xi32>
      tpu.vector_store %arg4[%swap3A_32, %swap3A_33], %and3A_31 {strides = array<i32>} : memref<1024x1xi32, #tpu.memory_space<vmem>>, vector<1024x1xi32>,
      %and3A_35 = arith.constant -8192 : i32
      %and3A_36 = vector.broadcast %and3A_35 : i32 to vector<1024x1xi32>
      %and3A_37 = arith.andi %get3A_28, %and3A_36 : vector<1024x1xi32>
      %bitcast_convert_type3A_38 = tpu.bitcast %and3A_37 : vector<1024x1xi32> -> vector<1024x1xf32>
      %eq3A_39 = arith.constant 0 : i32
      %eq3A_40 = arith.cmpi eq, %arg0, %eq3A_39 : i32
      %broadcast_in_dim3A_41 = arith.constant 0.000000e+00 : f32
      %broadcast_in_dim3A_42 = vector.broadcast %broadcast_in_dim3A_41 : f32 to vector<1x1xf32>
      %get3A_43 = arith.constant 0 : index
      %get3A_44 = arith.constant 0 : index
      %get3A_45 = vector.load %arg5[%get3A_43, %get3A_44] : memref<1x1xf32, #tpu.memory_space<vmem>>, vector<1x1xf32>
      %select_n3A = arith.select %eq3A_40, %broadcast_in_dim3A_42, %get3A_45 : vector<1x1xf32>
      %reduce_sum3A = vector.shape_cast %bitcast_convert_type3A_38 : vector<1024x1xf32> to vector<1x1024x1xf32>
      %reduce_sum3A_46 = arith.constant dense<0.000000e+00> : vector<1xf32>
      %reduce_sum3A_47 = vector.multi_reduction <add>, %reduce_sum3A, %reduce_sum3A_46 [1, 2] : vector<1x1024x1xf32> to vector<1xf32>
      %reduce_sum3A_48 = vector.shape_cast %reduce_sum3A_47 : vector<1xf32> to vector<1x1x1xf32>
      %reduce_sum3A_49 = vector.extract %reduce_sum3A_48[0, 0, 0] : f32 from vector<1x1x1xf32>
      %add3A_50 = vector.broadcast %reduce_sum3A_49 : f32 to vector<1x1xf32>
      %add3A_51 = arith.addf %select_n3A, %add3A_50 : vector<1x1xf32>
      %swap3A_52 = arith.constant 0 : index
      %swap3A_53 = arith.constant 0 : index
      %swap3A_54 = vector.load %arg5[%swap3A_52, %swap3A_53] : memref<1x1xf32, #tpu.memory_space<vmem>>, vector<1x1xf32>
      tpu.vector_store %arg5[%swap3A_52, %swap3A_53], %add3A_51 {strides = array<i32>} : memref<1x1xf32, #tpu.memory_space<vmem>>, vector<1x1xf32>,
    } else {
    }
    return
  }
  func.func @transform_0(%arg0: i32, %arg1: i32) -> (i32, i32) {
    %c0_i32 = arith.constant 0 : i32
    %c0_i32_0 = arith.constant 0 : i32
    return %arg0, %c0_i32 : i32, i32
  }
  func.func @transform_1(%arg0: i32, %arg1: i32) -> (i32, i32) {
    %c0_i32 = arith.constant 0 : i32
    %c0_i32_0 = arith.constant 0 : i32
    return %arg1, %c0_i32 : i32, i32
  }
  func.func @transform_2(%arg0: i32, %arg1: i32) -> (i32, i32) {
    %c0_i32 = arith.constant 0 : i32
    %c0_i32_0 = arith.constant 0 : i32
    return %arg0, %c0_i32 : i32, i32
  }
  func.func @transform_3(%arg0: i32, %arg1: i32) -> (i32, i32) {
    %c0_i32 = arith.constant 0 : i32
    %c0_i32_0 = arith.constant 0 : i32
    %c0_i32_1 = arith.constant 0 : i32
    return %c0_i32, %c0_i32_0 : i32, i32
  }
}

module attributes {stable_mosaic.version = 14 : i64} {
  func.func @_stats_body(%arg0: memref<16384x16xf32, #tpu.memory_space<vmem>>, %arg1: memref<1x1xf32, #tpu.memory_space<vmem>>, %arg2: memref<1x1xf32, #tpu.memory_space<vmem>>, %arg3: memref<1x1xf32, #tpu.memory_space<vmem>>, %arg4: memref<1x1xf32, #tpu.memory_space<vmem>>, %arg5: memref<1x1xi32, #tpu.memory_space<vmem>>) attributes {dimension_semantics = [], scalar_prefetch = 0 : i64, scratch_operands = 0 : i64, tpu.core_type = #tpu.core_type<tc>} {
    %get3A = arith.constant 0 : index
    %get3A_0 = arith.constant 0 : index
    %get3A_1 = vector.load %arg0[%get3A, %get3A_0] : memref<16384x16xf32, #tpu.memory_space<vmem>>, vector<8192x1xf32>
    %get3A_2 = arith.constant 8192 : index
    %get3A_3 = arith.constant 0 : index
    %get3A_4 = vector.load %arg0[%get3A_2, %get3A_3] : memref<16384x16xf32, #tpu.memory_space<vmem>>, vector<8192x1xf32>
    %add3A = arith.addf %get3A_1, %get3A_4 : vector<8192x1xf32>
    %mul3A = arith.constant 6.10351563E-5 : f32
    %mul3A_5 = vector.broadcast %mul3A : f32 to vector<8192x1xf32>
    %mul3A_6 = arith.mulf %add3A, %mul3A_5 : vector<8192x1xf32>
    %add3A_7 = arith.constant 1.000000e-10 : f32
    %add3A_8 = vector.broadcast %add3A_7 : f32 to vector<8192x1xf32>
    %add3A_9 = arith.addf %mul3A_6, %add3A_8 : vector<8192x1xf32>
    %log3A = math.log %add3A_9 : vector<8192x1xf32>
    %mul3A_10 = arith.mulf %mul3A_6, %log3A : vector<8192x1xf32>
    %reduce_sum3A = vector.shape_cast %mul3A_10 : vector<8192x1xf32> to vector<1x8192x1xf32>
    %reduce_sum3A_11 = arith.constant dense<0.000000e+00> : vector<1xf32>
    %reduce_sum3A_12 = vector.multi_reduction <add>, %reduce_sum3A, %reduce_sum3A_11 [1, 2] : vector<1x8192x1xf32> to vector<1xf32>
    %reduce_sum3A_13 = vector.shape_cast %reduce_sum3A_12 : vector<1xf32> to vector<1x1x1xf32>
    %reduce_sum3A_14 = vector.extract %reduce_sum3A_13[0, 0, 0] : f32 from vector<1x1x1xf32>
    %neg3A = arith.constant 0.000000e+00 : f32
    %neg3A_15 = arith.subf %neg3A, %reduce_sum3A_14 : f32
    %exp3A = math.exp %neg3A_15 : f32
    %reshape3A = vector.broadcast %exp3A : f32 to vector<1x1xf32>
    %swap3A = arith.constant 0 : index
    %swap3A_16 = arith.constant 0 : index
    %swap3A_17 = vector.load %arg4[%swap3A, %swap3A_16] : memref<1x1xf32, #tpu.memory_space<vmem>>, vector<1x1xf32>
    tpu.vector_store %arg4[%swap3A, %swap3A_16], %reshape3A {strides = array<i32>} : memref<1x1xf32, #tpu.memory_space<vmem>>, vector<1x1xf32>,
    %gt3A = arith.constant 0.000000e+00 : f32
    %gt3A_18 = vector.broadcast %gt3A : f32 to vector<8192x1xf32>
    %gt3A_19 = arith.cmpf ogt, %add3A, %gt3A_18 : vector<8192x1xf32>
    %convert_element_type3A = arith.extui %gt3A_19 : vector<8192x1xi1> to vector<8192x1xi32>
    %reduce_sum3A_20 = vector.shape_cast %convert_element_type3A : vector<8192x1xi32> to vector<1x8192x1xi32>
    %reduce_sum3A_21 = arith.constant dense<0> : vector<1xi32>
    %reduce_sum3A_22 = vector.multi_reduction <add>, %reduce_sum3A_20, %reduce_sum3A_21 [1, 2] : vector<1x8192x1xi32> to vector<1xi32>
    %reduce_sum3A_23 = vector.shape_cast %reduce_sum3A_22 : vector<1xi32> to vector<1x1x1xi32>
    %reduce_sum3A_24 = vector.extract %reduce_sum3A_23[0, 0, 0] : i32 from vector<1x1x1xi32>
    %reshape3A_25 = vector.broadcast %reduce_sum3A_24 : i32 to vector<1x1xi32>
    %swap3A_26 = arith.constant 0 : index
    %swap3A_27 = arith.constant 0 : index
    %swap3A_28 = vector.load %arg5[%swap3A_26, %swap3A_27] : memref<1x1xi32, #tpu.memory_space<vmem>>, vector<1x1xi32>
    tpu.vector_store %arg5[%swap3A_26, %swap3A_27], %reshape3A_25 {strides = array<i32>} : memref<1x1xi32, #tpu.memory_space<vmem>>, vector<1x1xi32>,
    %get3A_29 = arith.constant 0 : index
    %get3A_30 = arith.constant 0 : index
    %get3A_31 = vector.load %arg1[%get3A_29, %get3A_30] : memref<1x1xf32, #tpu.memory_space<vmem>>, vector<1x1xf32>
    %mul3A_32 = arith.constant 9.53674316E-7 : f32
    %mul3A_33 = vector.broadcast %mul3A_32 : f32 to vector<1x1xf32>
    %mul3A_34 = arith.mulf %get3A_31, %mul3A_33 : vector<1x1xf32>
    %swap3A_35 = arith.constant 0 : index
    %swap3A_36 = arith.constant 0 : index
    %swap3A_37 = vector.load %arg2[%swap3A_35, %swap3A_36] : memref<1x1xf32, #tpu.memory_space<vmem>>, vector<1x1xf32>
    tpu.vector_store %arg2[%swap3A_35, %swap3A_36], %mul3A_34 {strides = array<i32>} : memref<1x1xf32, #tpu.memory_space<vmem>>, vector<1x1xf32>,
    %mul3A_38 = arith.constant 2.500000e-01 : f32
    %mul3A_39 = vector.broadcast %mul3A_38 : f32 to vector<1x1xf32>
    %mul3A_40 = arith.mulf %mul3A_39, %mul3A_34 : vector<1x1xf32>
    %swap3A_41 = arith.constant 0 : index
    %swap3A_42 = arith.constant 0 : index
    %swap3A_43 = vector.load %arg3[%swap3A_41, %swap3A_42] : memref<1x1xf32, #tpu.memory_space<vmem>>, vector<1x1xf32>
    tpu.vector_store %arg3[%swap3A_41, %swap3A_42], %mul3A_40 {strides = array<i32>} : memref<1x1xf32, #tpu.memory_space<vmem>>, vector<1x1xf32>,
    return
  }
}

</mosaic_0001>

<sc_bundles>
// kernel: kernel.5.cloned.1.call-start
scs
__scs_entry_jumppad:
0x0: {  	(pc) =	sbr.rel $0x88, $3  }
0x1: {  	(tag) =	ssettag $0x0;
	lr =	simm.s32 $0x1  }
0x2: {  	[smem:$0x3F9F] =	sst lr;
	_ =	strace $0xD0000000  }
0x3: {  	_ = 	snop  }
0x4: {  	_ = 	snop  }
0x5: {  	_ = 	snop  }
0x6: {  	_ = 	snop  }
0x7: {  	_ = 	snop  }
__scs_overlays_trampoline_lowered:
0x8: {  	[smem:$0x3FAE] =	sst s0  }
0x9: {  	[smem:$0x3FAF] =	sst s1  }
0xa: {  	[smem:$0x3FB0] =	sst s2  }
0xb: {  	[smem:$0x3FB1] =	sst s3  }
0xc: {  	[smem:$0x3FB2] =	sst s4  }
0xd: {  	[smem:$0x3FB3] =	sst s5  }
0xe: {  	[smem:$0x3FB4] =	sst s6  }
0xf: {  	[smem:$0x3FB5] =	sst s7  }
0x10: {  	[smem:$0x3FB6] =	sst s8  }
0x11: {  	[smem:$0x3FB7] =	sst s9;
	s0 =	simm.s32 @!p0 $0x0  }
0x12: {  	s1 =	sld [smem:$0x3F9D];
	s0 =	simm.s32 @p0 $0x1  }
0x13: {  	[smem:$0x3FB8] =	sst s0;
	s0 =	simm.s32 @!p1 $0x0  }
0x14: {  	s2 =	sld [smem:$0x3F9C];
	s0 =	simm.s32 @p1 $0x1  }
0x15: {  	[smem:$0x3FB9] =	sst s0;
	s0 =	simm.s32 @!p2 $0x0  }
0x16: {  	s3 =	sld [smem:$0x3FDB];
	s0 =	simm.s32 @p2 $0x1  }
0x17: {  	s4 =	simm.s32 $0x1BF5;
	[smem:$0x3FBB] =	sst s0  }
0x18: {  	s0 =	sld [smem:$0x3F9E];
	_ =	swait.ge [sflag:s4], $0x0  }
0x19: {  	s7 =	sld [smem:$0x3F9F]  }
0x1a: {  	s8 =	sadd.s32 $0xFFFFE003, lr  }
0x1b: {  	s9 =	sadd.s32 $0xFFFFFEF7, lr;
	s5 =	simm.s32 $0xFFFFFFFF;
	p2 =	slt.u32 s8, $0xFFFFF086  }
0x1c: {  	p1 =	slt.u32 s9, $0xF7A;
	s5 =	simm.s32 @!p2 $0x0  }
0x1d: {  	s5 =	simm.s32 @p1 $0x1;
	p0 =	seq.s32 s7, s2  }
0x1e: {  	s7 =	smul.u32 @!p0 $0xF7A, s2;
	p2 =	seq.s32 @!p0 s5, $0x0  }
0x1f: {  	s9 =	smul.u32 $0xF7A, s1;
	s8 =	simm.s32 @!p0 $0x1BF5;
	p2 =	por !p2, p0  }
0x20: {  	[sflag:s8] =	ssyncset.s32 @!p0 $0xFFFFF086;
	s6 =	sadd.s32 @!p0 s3, s7;
	s7 =	simm.s32 @!p0 $0x108  }
0x21: {  	s3 =	sadd.s32 s3, s9;
	s6 =	sadd.s32 @!p0 $0x88, s6;
	s7 =	simm.s32 @p2 $0x1082  }
0x22: {  	[simem:s7], [sflag:s8] =	dma.local @!p0 [hbm:s6], $0xF7A  }
0x23: {  	s9 =	sor.u32 $0xD0000000, s2;
	s6 =	simm.s32 $0x108;
	_ =	swait.ge @!p0 [sflag:s8], $0x0  }
0x24: {  	s3 =	sadd.s32 $0x88, s3;
	s6 =	simm.s32 @!p1 $0x1082;
	[sflag:s4] =	ssyncset.s32 $0xFFFFF086  }
0x25: {  	[simem:s6], [sflag:s4] =	dma.local [hbm:s3], $0xF7A  }
0x26: {  	[smem:$0x3F9F] =	sst s1;
	(tag) =	ssettag s2;
	_ =	strace s9  }
0x27: {  	s1 =	sld [smem:$0x3FAF]  }
0x28: {  	s2 =	sld [smem:$0x3FB0]  }
0x29: {  	s4 =	sld [smem:$0x3FB2]  }
0x2a: {  	p0 =	seq.s32 s5, $0x0;
	s5 =	sld [smem:$0x3FB3]  }
0x2b: {  	s6 =	sld [smem:$0x3FB4]  }
0x2c: {  	s7 =	sld [smem:$0x3FB5]  }
0x2d: {  	s3 =	simm.s32 $0x108;
	s8 =	sld [smem:$0x3FB6]  }
0x2e: {  	s3 =	simm.s32 @!p0 $0x1082;
	s9 =	sld [smem:$0x3FB7]  }
0x2f: {  	lr =	sadd.s32 s0, s3;
	s0 =	sld [smem:$0x3FAE]  }
0x30: {  	s3 =	sld [smem:$0x3FB1]  }
0x31: {  	[smem:$0x3FBA] =	sst s10  }
0x32: {  	s10 =	sld [smem:$0x3FB8];
	_ =	sdelay $0x3  }
0x33: {  	p0 =	seq.s32 s10, $0x1;
	s10 =	sld [smem:$0x3FBA];
	_ =	sdelay $0x3  }
0x34: {  	[smem:$0x3FBA] =	sst s10  }
0x35: {  	s10 =	sld [smem:$0x3FB9];
	_ =	sdelay $0x3  }
0x36: {  	p1 =	seq.s32 s10, $0x1;
	s10 =	sld [smem:$0x3FBA];
	_ =	sdelay $0x3  }
0x37: {  	[smem:$0x3FBA] =	sst s10  }
0x38: {  	s10 =	sld [smem:$0x3FBB]  }
0x39: {  	_ = 	snop;
	(pc) =	sbr.ind lr, $3  }
0x3a: {  	_ = 	snop  }
0x3b: {  	_ = 	snop  }
0x3c: {  	p2 =	seq.s32 s10, $0x1;
	s10 =	sld [smem:$0x3FBA]  }
0x3d: {  	_ =	shalt  }
0x3e: {  	_ =	shalt  }
0x3f: {  	_ =	shalt  }
0x40: {  	_ =	shalt  }
0x41: {  	_ =	shalt  }
0x42: {  	_ =	shalt  }
0x43: {  	_ =	shalt  }
0x44: {  	_ =	shalt  }
0x45: {  	_ =	shalt  }
0x46: {  	_ =	shalt  }
0x47: {  	_ =	shalt  }
0x48: {  	_ =	shalt  }
0x49: {  	_ =	shalt  }
0x4a: {  	_ =	shalt  }
0x4b: {  	_ =	shalt  }
0x4c: {  	_ =	shalt  }
0x4d: {  	_ =	shalt  }
0x4e: {  	_ =	shalt  }
0x4f: {  	_ =	shalt  }
0x50: {  	_ =	shalt  }
0x51: {  	_ =	shalt  }
0x52: {  	_ =	shalt  }
0x53: {  	_ =	shalt  }
0x54: {  	_ =	shalt  }
0x55: {  	_ =	shalt  }
0x56: {  	_ =	shalt  }
0x57: {  	_ =	shalt  }
0x58: {  	_ =	shalt  }
0x59: {  	_ =	shalt  }
0x5a: {  	_ =	shalt  }
0x5b: {  	_ =	shalt  }
0x5c: {  	_ =	shalt  }
0x5d: {  	_ =	shalt  }
0x5e: {  	_ =	shalt  }
0x5f: {  	_ =	shalt  }
0x60: {  	_ =	shalt  }
0x61: {  	_ =	shalt  }
0x62: {  	_ =	shalt  }
0x63: {  	_ =	shalt  }
0x64: {  	_ =	shalt  }
0x65: {  	_ =	shalt  }
0x66: {  	_ =	shalt  }
0x67: {  	_ =	shalt  }
0x68: {  	_ =	shalt  }
0x69: {  	_ =	shalt  }
0x6a: {  	_ =	shalt  }
0x6b: {  	_ =	shalt  }
0x6c: {  	_ =	shalt  }
0x6d: {  	_ =	shalt  }
0x6e: {  	_ =	shalt  }
0x6f: {  	_ =	shalt  }
0x70: {  	_ =	shalt  }
0x71: {  	_ =	shalt  }
0x72: {  	_ =	shalt  }
0x73: {  	_ =	shalt  }
0x74: {  	_ =	shalt  }
0x75: {  	_ =	shalt  }
0x76: {  	_ =	shalt  }
0x77: {  	_ =	shalt  }
0x78: {  	_ =	shalt  }
0x79: {  	_ =	shalt  }
0x7a: {  	_ =	shalt  }
0x7b: {  	_ =	shalt  }
0x7c: {  	_ =	shalt  }
0x7d: {  	_ =	shalt  }
0x7e: {  	_ =	shalt  }
0x7f: {  	_ =	shalt  }
0x80: {  	_ =	shalt  }
0x81: {  	_ =	shalt  }
0x82: {  	_ =	shalt  }
0x83: {  	_ =	shalt  }
0x84: {  	_ =	shalt  }
0x85: {  	_ =	shalt  }
0x86: {  	_ =	shalt  }
0x87: {  	_ =	shalt  }
.Lfunc_end0:
.L_simem_size_0:
called_computation_lowered:
.L_overlay_start_0:
0x88: {  	s2 =	sld [smem:$0x3FD9]  }
0x89: {  	s3 =	sld [smem:$0x3FFE];
	_ =	sdelay $0x1  }
0x8a: {  	s1 =	srdreg.scid  }
0x8b: {  	s0 =	sand.u32 $0x1, s1  }
0x8c: {  	s14 =	sshll.u32 s0, $0xA;
	s2 =	sadd.s32 s3, s2  }
0x8d: {  	s2 =	sadd.s32 s2, s14  }
0x8e: {  	[smem:$0x3FC6] =	sst s2  }
0x8f: {  	_ = 	snop  }
0x90: {  	s2 =	sld [smem:$0x3FD0];
	_ =	sdelay $0x2  }
0x91: {  	s15 =	simm.s32 $0xA;
	s4 =	simm.s32 $0x10  }
0x92: {  	[smem:s4], [sflag:s15] =	dma.local [hbm:s2], $0x1  }
0x93: {  	_ =	swait.eq [sflag:s15], $0x1  }
0x94: {  	[sflag:s15] =	ssyncset.done $0x0  }
0x95: {  	s16 =	sld [smem:$0x10];
	[sflag:s15] =	ssyncadd.s32 $0xFFFFFFFF  }
0x96: {  	s17 =	sld [smem:$0x13];
	(tm) =	ssettm $0x1  }
0x97: {  	s18 =	sld [smem:$0x3FFB];
	_ =	sdelay $0x3  }
0x98: {  	_ =	strace s18  }
0x99: {  	s4 =	sld [smem:$0x3FFC];
	_ =	sdelay $0x3  }
0x9a: {  	_ =	strace s4  }
0x9b: {  	s4 =	sld [smem:$0x3FFD];
	_ =	sdelay $0x3  }
0x9c: {  	_ =	strace s4  }
0x9d: {  	_ =	strace $0x8FFFFFFF  }
0x9e: {  	s19 =	sld [smem:$0x3FDB];
	_ =	sdelay $0x1  }
0x9f: {  	s5 =	simm.s32 $_scs_section_size  }
0xa0: {  	s6 =	simm.s32 $_size__tile_overlayer_lowered;
	s7 =	simm.s32 $_tile_overlayer_lowered  }
0xa1: {  	s22 =	simm.s32 $0x1BFF;
	s21 =	sshll.u32 s7, $0x1;
	s4 =	sadd.s32 s5, s19  }
0xa2: {  	s8 =	simm.s32 $0x0;
	s20 =	sshll.u32 s6, $0x1;
	s6 =	sadd.s32 s21, s4  }
0xa3: {  	[timem:s8], [sflag:s22] =	dma.local [hbm:s6], s20  }
0xa4: {  	_ =	swait.ge [sflag:s22], s20  }
0xa5: {  	s5 =	ssub.s32 $0x0, s20;
	[sflag:s22] =	ssyncset.done $0x0  }
0xa6: {  	[sflag:s22] =	ssyncadd.s32 s5;
	_ =	sdelay $0x1  }
0xa7: {  	s23 =	simm.s32 $0x1B8B  }
0xa8: {  	_ =	swait.ge [sflag:s23], $0x1  }
0xa9: {  	[sflag:s23] =	ssyncset.done $0x0  }
0xaa: {  	s25 =	simm.s32 $0x1B8E;
	s24 =	sld [smem:$0x3FFE];
	[sflag:s23] =	ssyncadd.s32 $0xFFFFFFFF  }
0xab: {  	s26 =	simm.s32 $execute0_lowered;
	[smem:$0x3FD2] =	sst s25  }
0xac: {  	s6 =	sshll.u32 s26, $0x1;
	_ =	strace $0x80000046;
	[dreg:$0x1] =	wrdreg $0xFFFFFFFF  }
0xad: {  	s28 =	simm.s32 $_size_execute0_lowered;
	s4 =	sadd.s32 s4, s6;
	[dreg:$0x0] =	wrdreg $0x0  }
0xae: {  	s6 =	sshll.u32 s28, $0x1;
	[dreg:$0x2] =	wrdreg s4  }
0xaf: {  	[dreg:$0x3] =	wrdreg s6  }
0xb0: {  	[dreg:$0x4] =	wrdreg $0xC0  }
0xb1: {  	_ =	task [dreg:s8], $0x5FFFF  }
0xb2: {  	[dreg:$0x1] =	wrdreg $0xFFFFFFFF  }
0xb3: {  	[dreg:$0x0] =	wrdreg $0x60  }
0xb4: {  	[dreg:$0x2] =	wrdreg s17  }
0xb5: {  	[dreg:$0x3] =	wrdreg s24  }
0xb6: {  	[dreg:$0x4] =	wrdreg s16  }
0xb7: {  	[dreg:$0x5] =	wrdreg $0x8A000  }
0xb8: {  	[dreg:$0x6] =	wrdreg $0x9  }
0xb9: {  	_ =	task.clear_ibuf [dreg:s8], $0x7FFFF;
	_ =	strace $0x90000046  }
0xba: {  	s29 =	simm.s32 $0x9;
	_ =	strace $0x80000048  }
0xbb: {  	_ =	swait.ge [sflag:s29], $0x1  }
0xbc: {  	[sflag:s29] =	ssyncadd.s32 $0xFFFFFFFF  }
0xbd: {  	_ =	strace $0x90000048  }
0xbe: {  	_ =	sfence  }
0xbf: {  	s30 =	sld [smem:$0x0];
	_ =	sdelay $0x2  }
0xc0: {  	s31 =	sshll.u32 s1, $0xD;
	s1 =	sshrl.u32 s1, $0x2  }
0xc1: {  	s3 =	sand.u32 $0x4000, s31;
	s1 =	sadd.s32 s1, s30  }
0xc2: {  	s0 =	sor.u32 s3, s0;
	s1 =	sshll.u32 s1, $0x11  }
0xc3: {  	s0 =	sor.u32 s1, s0  }
0xc4: {  	s0 =	sadd.s32 $0x8F2B, s0  }
0xc5: {  	[sflag:s0] =	ssyncadd.remote.s32 $0x1  }
0xc6: {  	_ =	sfence.sel $0xFFFF  }
0xc7: {  	[dreg:$0x0] =	wrdreg $0xFFFFFFFF;
	(pc) =	sbr.abs _section_cstart, $3  }
0xc8: {  	[dreg:$0x1] =	wrdreg $0xFFFFFFFF  }
0xc9: {  	_ =	task.clear_ibuf [dreg:s8], $0x2FFFF;
	_ =	strace $0x9FFFFFFF  }
0xca: {  	(tm) =	ssettm $0x7FFFFFFF  }
0xcb: {  	_ =	shalt  }
tec
execute0_lowered:
.L_overlay_start_1:
0x0: {  	(tag) =	ssettag $0x1  }
0x1: {  	s4 =	rddreg [dreg:$0x0]  }
0x2: {  	s22 =	rddreg [dreg:$0x1];
	s1 =	srdreg.scid  }
0x3: {  	s24 =	rddreg [dreg:$0x2];
	s0 =	stileid.u32;
	s25 =	sand.u32 $0x1, s1  }
0x4: {  	s2 =	rddreg [dreg:$0x3];
	s23 =	sshll.u32 s0, $0xA;
	s5 =	sshll.u32 s25, $0x9  }
0x5: {  	s3 =	simm.s32 $0x0;
	s1 =	rddreg [dreg:$0x4];
	s26 =	sor.u32 s5, s23  }
0x6: {  	[smem:$0x7FF] =	sst s3;
	s5 =	sshrl.u32 s26, $0x3  }
0x7: {  	_ =	strace $0x80000047;
	s5 =	sadd.s32 s4, s5;
	s4 =	simm.s32 $0x2  }
0x8: {  	[tilespmem:s3], [sflag:$0x2] =	stream.linear.gather [hbm4b:s5+s3], $0x80, $0x38;
	[tilespmem:$0xAA00] =	vst v63  }
0x9: {  	_ =	swait.ge [sflag:s4], $0x80  }
0xa: {  	[sflag:s4] =	ssyncset.done $0x0  }
0xb: {  	s7 =	simm.s32 $0x80;
	s6 =	sadd.s32 $0x10, s5;
	[sflag:s4] =	ssyncadd.s32 $0xFFFFFF80  }
0xc: {  	[tilespmem:s7], [sflag:$0x2] =	stream.linear.gather [hbm4b:s6+s3], $0x80, $0x38;
	[tilespmem:$0xAA00] =	vst v63  }
0xd: {  	_ =	swait.ge [sflag:s4], $0x80  }
0xe: {  	[sflag:s4] =	ssyncset.done $0x0  }
0xf: {  	s9 =	simm.s32 $0x100;
	s8 =	sadd.s32 $0x20, s5;
	[sflag:s4] =	ssyncadd.s32 $0xFFFFFF80  }
0x10: {  	[tilespmem:s9], [sflag:$0x2] =	stream.linear.gather [hbm4b:s8+s3], $0x80, $0x38;
	[tilespmem:$0xAA00] =	vst v63  }
0x11: {  	_ =	swait.ge [sflag:s4], $0x80  }
0x12: {  	[sflag:s4] =	ssyncset.done $0x0  }
0x13: {  	s11 =	simm.s32 $0x180;
	s10 =	sadd.s32 $0x30, s5;
	[sflag:s4] =	ssyncadd.s32 $0xFFFFFF80  }
0x14: {  	[tilespmem:s11], [sflag:$0x2] =	stream.linear.gather [hbm4b:s10+s3], $0x80, $0x38;
	[tilespmem:$0xAA00] =	vst v63  }
0x15: {  	_ =	swait.ge [sflag:s4], $0x80  }
0x16: {  	[sflag:s4] =	ssyncset.done $0x0  }
0x17: {  	s13 =	simm.s32 $0x200;
	s12 =	sadd.s32 $0x200, s22;
	[sflag:s4] =	ssyncadd.s32 $0xFFFFFF80  }
0x18: {  	[tilespmem:s13], [sflag:$0x1] =	stream.indirect.gather [hbm4b:s12+s7], $0x40, s3, s7, $0xb8;
	[tilespmem:$0xAA00] =	vst v63  }
0x19: {  	s15 =	simm.s32 $0x2200;
	s17 =	simm.s32 $0x6200;
	s16 =	sshll.u32 s0, $0xD  }
0x1a: {  	[tilespmem:s15], [sflag:$0x1] =	stream.indirect.gather [hbm4b:s12+s7], $0x40, s7, s7, $0xb8;
	[tilespmem:$0xAA00] =	vst v63  }
0x1b: {  	s18 =	sshll.u32 s0, $0x6;
	s19 =	sadd.s32 s16, s2;
	s16 =	simm.s32 $0x4200  }
0x1c: {  	[tilespmem:s16], [sflag:$0x1] =	stream.indirect.gather [hbm4b:s12+s7], $0x40, s9, s7, $0xb8;
	[tilespmem:$0xAA00] =	vst v63  }
0x1d: {  	s14 =	sadd.s32 $0x10400, s22;
	s18 =	sor.u32 $0x1C02, s18;
	s19 =	sshrl.u32 s19, $0x3  }
0x1e: {  	[tilespmem:s17], [sflag:$0x1] =	stream.indirect.gather [hbm4b:s12+s7], $0x40, s11, s7, $0xb8;
	[tilespmem:$0xAA00] =	vst v63  }
0x1f: {  	[spmem:s19], [sflag:s18] =	dma.local [hbm:s14], $0x400  }
0x20: {  	_ =	swait.ge [sflag:s4], $0x400  }
0x21: {  	[sflag:s4] =	ssyncset.done $0x0  }
0x22: {  	s21 =	simm.s32 $0x8200;
	s20 =	sadd.s32 $0x10800, s22;
	[sflag:s4] =	ssyncadd.s32 $0xFFFFFC00  }
0x23: {  	[tilespmem:s21], [sflag:$0x2] =	stream.linear.gather [hbm4b:s20+s3], $0x800, $0x38;
	[tilespmem:$0xAA00] =	vst v63  }
0x24: {  	_ =	swait.ge [sflag:s4], $0x800  }
0x25: {  	[sflag:s4] =	ssyncset.done $0x0  }
0x26: {  	[sflag:s4] =	ssyncadd.s32 $0xFFFFF800  }
0x27: {  	[bflag:$0x0] =	sbarrier.arrive $0xFFFF  }
0x28: {  	[spmem:s2] =	stream.indirect.scatter.add.f32 [tilespmem:s21], [sflag:$0x2], $0x10, s3, s7, $0xb8;
	[tilespmem:$0xAA00] =	vst v63  }
0x29: {  	_ =	swait.ge [sflag:s4], $0x800  }
0x2a: {  	[sflag:s4] =	ssyncset.done $0x0  }
0x2b: {  	[sflag:s4] =	ssyncadd.s32 $0xFFFFF800  }
0x2c: {  	[spmem:s2] =	stream.indirect.scatter.add.f32 [tilespmem:s21], [sflag:$0x2], $0x10, s7, s7, $0xb8;
	[tilespmem:$0xAA00] =	vst v63  }
0x2d: {  	_ =	swait.ge [sflag:s4], $0x800  }
0x2e: {  	[sflag:s4] =	ssyncset.done $0x0  }
0x2f: {  	[sflag:s4] =	ssyncadd.s32 $0xFFFFF800  }
0x30: {  	[spmem:s2] =	stream.indirect.scatter.add.f32 [tilespmem:s21], [sflag:$0x2], $0x10, s9, s7, $0xb8;
	[tilespmem:$0xAA00] =	vst v63  }
0x31: {  	_ =	swait.ge [sflag:s4], $0x800  }
0x32: {  	[sflag:s4] =	ssyncset.done $0x0  }
0x33: {  	[sflag:s4] =	ssyncadd.s32 $0xFFFFF800  }
0x34: {  	[spmem:s2] =	stream.indirect.scatter.add.f32 [tilespmem:s21], [sflag:$0x2], $0x10, s11, s7, $0xb8;
	[tilespmem:$0xAA00] =	vst v63  }
0x35: {  	_ =	swait.ge [sflag:s4], $0x800  }
0x36: {  	s22 =	sadd.s32 s23, s22;
	s31 =	sshll.u32 s25, $0xE;
	[sflag:s4] =	ssyncset.done $0x0  }
0x37: {  	s22 =	sadd.s32 s31, s22;
	[sflag:s4] =	ssyncadd.s32 $0xFFFFF800  }
0x38: {  	s22 =	sadd.s32 $0x10A00, s22;
	[bflag:$0x0] =	sbarrier.arrive $0xFFFF  }
0x39: {  	[hbm:s22], [sflag:s18] =	dma.local [spmem:s19], $0x400  }
0x3a: {  	_ =	swait.ge [sflag:s4], $0x400  }
0x3b: {  	[sflag:s4] =	ssyncset.done $0x0  }
0x3c: {  	s23 =	simm.s32 $0x1;
	[sflag:s4] =	ssyncadd.s32 $0xFFFFFC00  }
0x3d: {  	_ =	swait.ge [sflag:s23], $0x2000  }
0x3e: {  	[sflag:s23] =	ssyncset.done $0x0  }
0x3f: {  	[sflag:s23] =	ssyncadd.s32 $0xFFFFE000  }
0x40: {  	_ =	swait.ge [sflag:s23], $0x2000  }
0x41: {  	[sflag:s23] =	ssyncset.done $0x0  }
0x42: {  	s25 =	ssub.s32 $0x2, s25;
	[sflag:s23] =	ssyncadd.s32 $0xFFFFE000  }
0x43: {  	s28 =	sshrl.u32 s25, $0x1;
	_ =	swait.ge [sflag:s23], $0x2000  }
0x44: {  	s25 =	ssub.s32 s25, s28;
	[sflag:s23] =	ssyncset.done $0x0  }
0x45: {  	s25 =	smax.u32 s25, $0x1;
	[sflag:s23] =	ssyncadd.s32 $0xFFFFE000  }
0x46: {  	p0 =	sne.s32 s25, $0x1;
	_ =	swait.ge [sflag:s23], $0x2000  }
.Ltmp0:
0x47: {  	s26 =	sshll.u32 s26, $0x3;
	[sflag:s23] =	ssyncset.done $0x0;
	(pc) =	sbr.rel @!p0 .LBB2_2-.Ltmp0, $4  }
0x48: {  	s24 =	sadd.s32 s24, s26;
	[sflag:s23] =	ssyncadd.s32 $0xFFFFE000  }
0x49: {  	[hbm4b:s24+s3] =	stream.linear.scatter [tilespmem:s13], [sflag:$0x2], $0x8000, $0x38;
	[tilespmem:$0xAA00] =	vst v63  }
0x4a: {  	_ =	swait.ge [sflag:s4], $0x8000  }
0x4b: {  	s25 =	sadd.s32 $0xFFFFFFFF, s25;
	[sflag:s4] =	ssyncset.done $0x0  }
.LBB2_1:
0x4c: {  	p0 =	sne.s32 s25, $0x1;
	s25 =	sadd.s32 $0xFFFFFFFF, s25;
	[sflag:s4] =	ssyncadd.s32 $0xFFFF8000  }
0x4d: {  	[tilespmem:s3], [sflag:$0x2] =	stream.linear.gather [hbm4b:s5+s3], $0x80, $0x38;
	[tilespmem:$0xAA00] =	vst v63  }
0x4e: {  	_ =	swait.ge [sflag:s4], $0x80  }
0x4f: {  	[sflag:s4] =	ssyncset.done $0x0  }
0x50: {  	[sflag:s4] =	ssyncadd.s32 $0xFFFFFF80  }
0x51: {  	[tilespmem:s7], [sflag:$0x2] =	stream.linear.gather [hbm4b:s6+s3], $0x80, $0x38;
	[tilespmem:$0xAA00] =	vst v63  }
0x52: {  	_ =	swait.ge [sflag:s4], $0x80  }
0x53: {  	[sflag:s4] =	ssyncset.done $0x0  }
0x54: {  	[sflag:s4] =	ssyncadd.s32 $0xFFFFFF80  }
0x55: {  	[tilespmem:s9], [sflag:$0x2] =	stream.linear.gather [hbm4b:s8+s3], $0x80, $0x38;
	[tilespmem:$0xAA00] =	vst v63  }
0x56: {  	_ =	swait.ge [sflag:s4], $0x80  }
0x57: {  	[sflag:s4] =	ssyncset.done $0x0  }
0x58: {  	[sflag:s4] =	ssyncadd.s32 $0xFFFFFF80  }
0x59: {  	[tilespmem:s11], [sflag:$0x2] =	stream.linear.gather [hbm4b:s10+s3], $0x80, $0x38;
	[tilespmem:$0xAA00] =	vst v63  }
0x5a: {  	_ =	swait.ge [sflag:s4], $0x80  }
0x5b: {  	[sflag:s4] =	ssyncset.done $0x0  }
0x5c: {  	[sflag:s4] =	ssyncadd.s32 $0xFFFFFF80  }
0x5d: {  	[tilespmem:s13], [sflag:$0x1] =	stream.indirect.gather [hbm4b:s12+s7], $0x40, s3, s7, $0xb8;
	[tilespmem:$0xAA00] =	vst v63  }
0x5e: {  	_ = 	snop  }
0x5f: {  	[tilespmem:s15], [sflag:$0x1] =	stream.indirect.gather [hbm4b:s12+s7], $0x40, s7, s7, $0xb8;
	[tilespmem:$0xAA00] =	vst v63  }
0x60: {  	_ = 	snop  }
0x61: {  	[tilespmem:s16], [sflag:$0x1] =	stream.indirect.gather [hbm4b:s12+s7], $0x40, s9, s7, $0xb8;
	[tilespmem:$0xAA00] =	vst v63  }
0x62: {  	_ = 	snop  }
0x63: {  	[tilespmem:s17], [sflag:$0x1] =	stream.indirect.gather [hbm4b:s12+s7], $0x40, s11, s7, $0xb8;
	[tilespmem:$0xAA00] =	vst v63  }
0x64: {  	[spmem:s19], [sflag:s18] =	dma.local [hbm:s14], $0x400  }
0x65: {  	_ =	swait.ge [sflag:s4], $0x400  }
0x66: {  	[sflag:s4] =	ssyncset.done $0x0  }
0x67: {  	[sflag:s4] =	ssyncadd.s32 $0xFFFFFC00  }
0x68: {  	[tilespmem:s21], [sflag:$0x2] =	stream.linear.gather [hbm4b:s20+s3], $0x800, $0x38;
	[tilespmem:$0xAA00] =	vst v63  }
0x69: {  	_ =	swait.ge [sflag:s4], $0x800  }
0x6a: {  	[sflag:s4] =	ssyncset.done $0x0  }
0x6b: {  	[sflag:s4] =	ssyncadd.s32 $0xFFFFF800  }
0x6c: {  	[bflag:$0x0] =	sbarrier.arrive $0xFFFF  }
0x6d: {  	[spmem:s2] =	stream.indirect.scatter.add.f32 [tilespmem:s21], [sflag:$0x2], $0x10, s3, s7, $0xb8;
	[tilespmem:$0xAA00] =	vst v63  }
0x6e: {  	_ =	swait.ge [sflag:s4], $0x800  }
0x6f: {  	[sflag:s4] =	ssyncset.done $0x0  }
0x70: {  	[sflag:s4] =	ssyncadd.s32 $0xFFFFF800  }
0x71: {  	[spmem:s2] =	stream.indirect.scatter.add.f32 [tilespmem:s21], [sflag:$0x2], $0x10, s7, s7, $0xb8;
	[tilespmem:$0xAA00] =	vst v63  }
0x72: {  	_ =	swait.ge [sflag:s4], $0x800  }
0x73: {  	[sflag:s4] =	ssyncset.done $0x0  }
0x74: {  	[sflag:s4] =	ssyncadd.s32 $0xFFFFF800  }
0x75: {  	[spmem:s2] =	stream.indirect.scatter.add.f32 [tilespmem:s21], [sflag:$0x2], $0x10, s9, s7, $0xb8;
	[tilespmem:$0xAA00] =	vst v63  }
0x76: {  	_ =	swait.ge [sflag:s4], $0x800  }
0x77: {  	[sflag:s4] =	ssyncset.done $0x0  }
0x78: {  	[sflag:s4] =	ssyncadd.s32 $0xFFFFF800  }
0x79: {  	[spmem:s2] =	stream.indirect.scatter.add.f32 [tilespmem:s21], [sflag:$0x2], $0x10, s11, s7, $0xb8;
	[tilespmem:$0xAA00] =	vst v63  }
0x7a: {  	_ =	swait.ge [sflag:s4], $0x800  }
0x7b: {  	[sflag:s4] =	ssyncset.done $0x0  }
0x7c: {  	[sflag:s4] =	ssyncadd.s32 $0xFFFFF800  }
0x7d: {  	[bflag:$0x0] =	sbarrier.arrive $0xFFFF  }
0x7e: {  	[hbm:s22], [sflag:s18] =	dma.local [spmem:s19], $0x400  }
0x7f: {  	_ =	swait.ge [sflag:s4], $0x400  }
0x80: {  	[sflag:s4] =	ssyncset.done $0x0  }
0x81: {  	[sflag:s4] =	ssyncadd.s32 $0xFFFFFC00  }
0x82: {  	_ =	swait.ge [sflag:s23], $0x2000  }
0x83: {  	[sflag:s23] =	ssyncset.done $0x0  }
0x84: {  	[sflag:s23] =	ssyncadd.s32 $0xFFFFE000  }
0x85: {  	_ =	swait.ge [sflag:s23], $0x2000  }
0x86: {  	[sflag:s23] =	ssyncset.done $0x0  }
0x87: {  	[sflag:s23] =	ssyncadd.s32 $0xFFFFE000  }
0x88: {  	_ =	swait.ge [sflag:s23], $0x2000  }
0x89: {  	[sflag:s23] =	ssyncset.done $0x0  }
0x8a: {  	[sflag:s23] =	ssyncadd.s32 $0xFFFFE000  }
0x8b: {  	_ =	swait.ge [sflag:s23], $0x2000  }
.Ltmp1:
0x8c: {  	[sflag:s23] =	ssyncset.done $0x0;
	(pc) =	sbr.rel @p0 .LBB2_1-.Ltmp1, $4  }
0x8d: {  	[sflag:s23] =	ssyncadd.s32 $0xFFFFE000  }
0x8e: {  	[hbm4b:s24+s3] =	stream.linear.scatter [tilespmem:s13], [sflag:$0x2], $0x8000, $0x38;
	[tilespmem:$0xAA00] =	vst v63  }
0x8f: {  	_ =	swait.ge [sflag:s4], $0x8000  }
0x90: {  	[sflag:s4] =	ssyncset.done $0x0  }
.LBB2_2:
0x91: {  	[sflag:s4] =	ssyncadd.s32 $0xFFFF8000  }
0x92: {  	_ =	sfence.sel $0x180000  }
0x93: {  	[bflag:$0x0] =	sbarrier.arrive $0xFFFF  }
0x94: {  	p0 =	sne.s32 s0, $0x0;
	_ =	strace $0x90000047  }
0x95: {  	s0 =	sadd.s32 @!p0 $0x100000, s1;
	[bflag:$0x2] =	sbarrier.arrive $0xFFFF  }
0x96: {  	[sflag:s0] =	ssyncadd.tile.s32 @!p0 $0x1;
	_ =	shalt  }
.Lfunc_end2:
_tile_overlayer_lowered:
.L_overlay_start_2:
0x97: {  	(tag) =	ssettag $0x2  }
0x98: {  	s0 =	rddreg [dreg:$0x0];
	s2 =	stileid.u32  }
0x99: {  	s1 =	rddreg [dreg:$0x1];
	p0 =	sne.s32 s2, $0x0  }
0x9a: {  	s3 =	rddreg [dreg:$0x2];
	[bflag:$0x3] =	sbarrier.arrive $0xFFFF;
	s2 =	simm.s32 @!p0 $0x1C02  }
0x9b: {  	[timem:s3], [sflag:s2] =	dma.local @!p0 [hbm:s0], s1  }
0x9c: {  	s0 =	simm.s32 @!p0 $0x2  }
0x9d: {  	_ =	swait.ge @!p0 [sflag:s0], s1  }
0x9e: {  	s1 =	ssub.s32 @!p0 $0x0, s1;
	[sflag:s0] =	ssyncset.done @!p0 $0x0  }
0x9f: {  	[sflag:s0] =	ssyncadd.s32 @!p0 s1  }
0xa0: {  	[bflag:$0x3] =	sbarrier.arrive $0xFFFF  }
0xa1: {  	_ =	shalt  }

</sc_bundles>
